<compile_context>
chip_gen: v7x
topology: tpu7x:2x2x1
jax: 0.10.2.dev20260603
libtpu: 0.0.44.dev20260713+nightly
codegen_flags: <defaults>
</compile_context>

<pallas_src>
import jax
import jax.numpy as jnp
from jax.experimental import pallas as pl
from jax.experimental.pallas import tpu as pltpu

_B = 1024
_Q = 8
_D = 256
_K = _Q * _D
_N = 8192
_BN = 512
_NB = _N // _BN


def _vq_min_kernel(qt_ref, ctx_ref, out_ref, cpy_ref, acc_ref):
    n = pl.program_id(0)

    gf = ctx_ref[...]
    cpy_ref[...] = gf

    qt = qt_ref[...]
    gb = gf.astype(jnp.bfloat16)

    dots = jnp.dot(gb, qt, preferred_element_type=jnp.float32)
    gnorm = jnp.sum(gf * gf, axis=1, keepdims=True)
    d = gnorm - 2.0 * dots
    m = jnp.min(d, axis=0, keepdims=True)

    @pl.when(n == 0)
    def _init():
        acc_ref[...] = m

    @pl.when(n > 0)
    def _update():
        acc_ref[...] = jnp.minimum(acc_ref[...], m)

    @pl.when(n == _NB - 1)
    def _finish():
        qf = qt.astype(jnp.float32)
        qn = jnp.sum(qf * qf, axis=0, keepdims=True)
        out_ref[...] = (qn + acc_ref[...]) * (1.0 / _K)


def kernel(q, local_repr, context):
    del local_repr
    qt = q.reshape(_B, _K).astype(jnp.bfloat16).T
    ctx_flat = context.reshape(_N, _K)

    out1, ctx_out = pl.pallas_call(
        _vq_min_kernel,
        grid=(_NB,),
        in_specs=[
            pl.BlockSpec((_K, _B), lambda n: (0, 0)),
            pl.BlockSpec((_BN, _K), lambda n: (n, 0)),
        ],
        out_specs=[
            pl.BlockSpec((1, _B), lambda n: (0, 0)),
            pl.BlockSpec((_BN, _K), lambda n: (n, 0)),
        ],
        out_shape=[
            jax.ShapeDtypeStruct((1, _B), jnp.float32),
            jax.ShapeDtypeStruct((_N, _K), jnp.float32),
        ],
        scratch_shapes=[
            pltpu.VMEM((1, _B), jnp.float32),
        ],
    )(qt, ctx_flat)

    return (out1.reshape(_B), ctx_out.reshape(_N * _Q, _D))

# --- scband reference (transcript-rebuilt; emitter-appended) ---
"""Pipeline reference for scband-extractor-36721970381000 (READ-ONLY COPY).

The authoritative reference and input builder live on the scoring server;
editing this copy changes nothing except your own understanding.
"""

import jax, jax.numpy as jnp
import numpy as np

CONTEXT_SIZE = 8192
QUERY_LEN = 8
D_MODEL = 256
BATCH = 1024


def setup_inputs(seed: int = 0) -> dict:
    key = jax.random.key(seed)
    k1, k2, k3 = jax.random.split(key, 3)
    q = jax.random.normal(k1, (BATCH, QUERY_LEN, D_MODEL), dtype=jnp.float32)
    local_repr = jax.random.normal(k2, (BATCH, QUERY_LEN, D_MODEL), dtype=jnp.float32)
    # learned/buffered codebook (self.context buffer in torch module)
    context = jax.random.normal(k3, (CONTEXT_SIZE, QUERY_LEN, D_MODEL), dtype=jnp.float32)
    return {"q": q, "local_repr": local_repr, "context": context}


def reference(q, local_repr, context):
    # extractor layers list is empty, so q passes through unchanged; local_repr unused
    B, Q, D = q.shape
    N = context.shape[0]
    q_flat = q.reshape(-1, Q * D)
    g_flat = context.reshape(-1, Q * D)
    distances = (jnp.sum(q_flat ** 2, axis=1, keepdims=True)
                 + jnp.sum(g_flat ** 2, axis=1)
                 - 2.0 * jnp.matmul(q_flat, g_flat.T))
    indices = jnp.argmin(distances.astype(jnp.float32), axis=-1)
    encodings = jax.nn.one_hot(indices, N, dtype=jnp.float32)
    q_context = jnp.einsum('bn,nqd->bqd', encodings, context)
    q_hat = jnp.einsum('bn,bqd->nqd', encodings, q)
    # F.mse_loss(q_context.detach(), q, reduction='none').mean(dim=(1,2))
    query_latent_distances = jnp.mean((jax.lax.stop_gradient(q_context) - q) ** 2, axis=(1, 2))
    # eval mode: no EMA buffer updates
    ctx = q_hat + jax.lax.stop_gradient(context) - jax.lax.stop_gradient(q_hat)
    context_out = ctx.reshape(-1, D)
    return (query_latent_distances, context_out)

if __name__ == "__main__":
    import jax
    _d = setup_inputs()
    print(jax.jit(kernel)(*tuple(_d.values())))

</pallas_src>

<mosaic_0001>
module attributes {stable_mosaic.version = 14 : i64} {
  func.func @_vq_min_kernel(%arg0: i32, %arg1: memref<2048x1024xbf16, #tpu.memory_space<vmem>>, %arg2: memref<512x2048xf32, #tpu.memory_space<vmem>>, %arg3: memref<1x1024xf32, #tpu.memory_space<vmem>>, %arg4: memref<512x2048xf32, #tpu.memory_space<vmem>>, %arg5: memref<1x1024xf32, #tpu.memory_space<vmem>>) attributes {dimension_semantics = [#tpu.dimension_semantics<arbitrary>], iteration_bounds = array<i64: 16>, scalar_prefetch = 0 : i64, scratch_operands = 1 : i64, tpu.core_type = #tpu.core_type<tc>, window_params = [{pipeline_mode = #tpu.pipeline_mode<synchronous>, transform_indices = @transform_0, window_bounds = array<i64: 2048, 1024>}, {transform_indices = @transform_1, window_bounds = array<i64: 512, 2048>}, {pipeline_mode = #tpu.pipeline_mode<synchronous>, transform_indices = @transform_2, window_bounds = array<i64: 1, 1024>}, {transform_indices = @transform_3, window_bounds = array<i64: 512, 2048>}]} {
    %get3A = arith.constant 0 : index
    %get3A_0 = arith.constant 0 : index
    %get3A_1 = vector.load %arg2[%get3A, %get3A_0] : memref<512x2048xf32, #tpu.memory_space<vmem>>, vector<512x2048xf32>
    %swap3A = arith.constant 0 : index
    %swap3A_2 = arith.constant 0 : index
    %swap3A_3 = vector.load %arg4[%swap3A, %swap3A_2] : memref<512x2048xf32, #tpu.memory_space<vmem>>, vector<512x2048xf32>
    tpu.vector_store %arg4[%swap3A, %swap3A_2], %get3A_1 {strides = array<i32>} : memref<512x2048xf32, #tpu.memory_space<vmem>>, vector<512x2048xf32>,
    %get3A_4 = arith.constant 0 : index
    %get3A_5 = arith.constant 0 : index
    %get3A_6 = vector.load %arg1[%get3A_4, %get3A_5] : memref<2048x1024xbf16, #tpu.memory_space<vmem>>, vector<2048x1024xbf16>
    %convert_element_type3A = arith.truncf %get3A_1 : vector<512x2048xf32> to vector<512x2048xbf16>
    %dot_general3A = arith.constant dense<0.000000e+00> : vector<512x1024xf32>
    %dot_general3A_7 = tpu.matmul %convert_element_type3A, %get3A_6, %dot_general3A {dimension_numbers = #tpu.dot_dimension_numbers<[1], [0], [0], [1], [0, 0, 1, 1], [], []>, transpose_lhs_hint = false} : vector<512x2048xbf16>, vector<2048x1024xbf16>, vector<512x1024xf32> -> vector<512x1024xf32>
    %mul3A = arith.mulf %get3A_1, %get3A_1 : vector<512x2048xf32>
    %reduce_sum3A = arith.constant dense<0.000000e+00> : vector<512xf32>
    %reduce_sum3A_8 = vector.multi_reduction <add>, %mul3A, %reduce_sum3A [1] : vector<512x2048xf32> to vector<512xf32>
    %broadcast_in_dim3A = vector.shape_cast %reduce_sum3A_8 : vector<512xf32> to vector<512x1xf32>
    %mul3A_9 = arith.constant 2.000000e+00 : f32
    %mul3A_10 = vector.broadcast %mul3A_9 : f32 to vector<512x1024xf32>
    %mul3A_11 = arith.mulf %mul3A_10, %dot_general3A_7 : vector<512x1024xf32>
    %sub3A = vector.broadcast %broadcast_in_dim3A : vector<512x1xf32> to vector<512x1024xf32>
    %sub3A_12 = arith.subf %sub3A, %mul3A_11 : vector<512x1024xf32>
    %reduce_min3A = arith.constant dense<0x7F800000> : vector<1024xf32>
    %reduce_min3A_13 = vector.multi_reduction <minimumf>, %sub3A_12, %reduce_min3A [0] : vector<512x1024xf32> to vector<1024xf32>
    %broadcast_in_dim3A_14 = vector.shape_cast %reduce_min3A_13 : vector<1024xf32> to vector<1x1024xf32>
    %eq3A = arith.constant 0 : i32
    %eq3A_15 = arith.cmpi eq, %arg0, %eq3A : i32
    %convert_element_type3A_16 = arith.extui %eq3A_15 : i1 to i32
    %cond3A = arith.constant 0 : i32
    %cond3A_17 = arith.cmpi ne, %convert_element_type3A_16, %cond3A : i32
    scf.if %cond3A_17 {
      %swap3A_27 = arith.constant 0 : index
      %swap3A_28 = arith.constant 0 : index
      %swap3A_29 = vector.load %arg5[%swap3A_27, %swap3A_28] : memref<1x1024xf32, #tpu.memory_space<vmem>>, vector<1x1024xf32>
      tpu.vector_store %arg5[%swap3A_27, %swap3A_28], %broadcast_in_dim3A_14 {strides = array<i32>} : memref<1x1024xf32, #tpu.memory_space<vmem>>, vector<1x1024xf32>,
    } else {
    }
    %gt3A = arith.constant 0 : i32
    %gt3A_18 = arith.cmpi sgt, %arg0, %gt3A : i32
    %convert_element_type3A_19 = arith.extui %gt3A_18 : i1 to i32
    %cond3A_20 = arith.constant 0 : i32
    %cond3A_21 = arith.cmpi ne, %convert_element_type3A_19, %cond3A_20 : i32
    scf.if %cond3A_21 {
      %get3A_27 = arith.constant 0 : index
      %get3A_28 = arith.constant 0 : index
      %get3A_29 = vector.load %arg5[%get3A_27, %get3A_28] : memref<1x1024xf32, #tpu.memory_space<vmem>>, vector<1x1024xf32>
      %min3A = arith.minimumf %get3A_29, %broadcast_in_dim3A_14 : vector<1x1024xf32>
      %swap3A_30 = arith.constant 0 : index
      %swap3A_31 = arith.constant 0 : index
      %swap3A_32 = vector.load %arg5[%swap3A_30, %swap3A_31] : memref<1x1024xf32, #tpu.memory_space<vmem>>, vector<1x1024xf32>
      tpu.vector_store %arg5[%swap3A_30, %swap3A_31], %min3A {strides = array<i32>} : memref<1x1024xf32, #tpu.memory_space<vmem>>, vector<1x1024xf32>,
    } else {
    }
    %eq3A_22 = arith.constant 15 : i32
    %eq3A_23 = arith.cmpi eq, %arg0, %eq3A_22 : i32
    %convert_element_type3A_24 = arith.extui %eq3A_23 : i1 to i32
    %cond3A_25 = arith.constant 0 : i32
    %cond3A_26 = arith.cmpi ne, %convert_element_type3A_24, %cond3A_25 : i32
    scf.if %cond3A_26 {
      %convert_element_type3A_27 = arith.extf %get3A_6 : vector<2048x1024xbf16> to vector<2048x1024xf32>
      %mul3A_28 = arith.mulf %convert_element_type3A_27, %convert_element_type3A_27 : vector<2048x1024xf32>
      %reduce_sum3A_29 = arith.constant dense<0.000000e+00> : vector<1024xf32>
      %reduce_sum3A_30 = vector.multi_reduction <add>, %mul3A_28, %reduce_sum3A_29 [0] : vector<2048x1024xf32> to vector<1024xf32>
      %broadcast_in_dim3A_31 = vector.shape_cast %reduce_sum3A_30 : vector<1024xf32> to vector<1x1024xf32>
      %get3A_32 = arith.constant 0 : index
      %get3A_33 = arith.constant 0 : index
      %get3A_34 = vector.load %arg5[%get3A_32, %get3A_33] : memref<1x1024xf32, #tpu.memory_space<vmem>>, vector<1x1024xf32>
      %add3A = arith.addf %broadcast_in_dim3A_31, %get3A_34 : vector<1x1024xf32>
      %mul3A_35 = arith.constant 4.8828125E-4 : f32
      %mul3A_36 = vector.broadcast %mul3A_35 : f32 to vector<1x1024xf32>
      %mul3A_37 = arith.mulf %add3A, %mul3A_36 : vector<1x1024xf32>
      %swap3A_38 = arith.constant 0 : index
      %swap3A_39 = arith.constant 0 : index
      %swap3A_40 = vector.load %arg3[%swap3A_38, %swap3A_39] : memref<1x1024xf32, #tpu.memory_space<vmem>>, vector<1x1024xf32>
      tpu.vector_store %arg3[%swap3A_38, %swap3A_39], %mul3A_37 {strides = array<i32>} : memref<1x1024xf32, #tpu.memory_space<vmem>>, vector<1x1024xf32>,
    } else {
    }
    return
  }
  func.func @transform_0(%arg0: i32) -> (i32, i32) {
    %c0_i32 = arith.constant 0 : i32
    %c0_i32_0 = arith.constant 0 : i32
    %c0_i32_1 = arith.constant 0 : i32
    return %c0_i32, %c0_i32_0 : i32, i32
  }
  func.func @transform_1(%arg0: i32) -> (i32, i32) {
    %c0_i32 = arith.constant 0 : i32
    %c0_i32_0 = arith.constant 0 : i32
    return %arg0, %c0_i32 : i32, i32
  }
  func.func @transform_2(%arg0: i32) -> (i32, i32) {
    %c0_i32 = arith.constant 0 : i32
    %c0_i32_0 = arith.constant 0 : i32
    %c0_i32_1 = arith.constant 0 : i32
    return %c0_i32, %c0_i32_0 : i32, i32
  }
  func.func @transform_3(%arg0: i32) -> (i32, i32) {
    %c0_i32 = arith.constant 0 : i32
    %c0_i32_0 = arith.constant 0 : i32
    return %arg0, %c0_i32 : i32, i32
  }
}

</mosaic_0001>

<sc_bundles>
// kernel: sparse-core-data-format-call.cloned.1.call-start
scs
called_computation_lowered:
.L_overlay_start_0:
0x0: {  	s2 =	sld [smem:$0x3FD9]  }
0x1: {  	s3 =	sld [smem:$0x3FFE];
	_ =	sdelay $0x1  }
0x2: {  	s1 =	srdreg.scid  }
0x3: {  	s0 =	sand.u32 $0x1, s1  }
0x4: {  	s16 =	sshll.u32 s0, $0xA;
	s2 =	sadd.s32 s3, s2  }
0x5: {  	s2 =	sadd.s32 s2, s16  }
0x6: {  	[smem:$0x3FC6] =	sst s2  }
0x7: {  	_ = 	snop  }
0x8: {  	s2 =	sld [smem:$0x3FD0];
	_ =	sdelay $0x2  }
0x9: {  	s4 =	simm.s32 $0xA;
	s5 =	simm.s32 $0x10;
	s17 =	sld [smem:$0x3FC8]  }
0xa: {  	[smem:s5], [sflag:s4] =	dma.local [hbm:s2], $0x1  }
0xb: {  	_ =	swait.eq [sflag:s4], $0x1  }
0xc: {  	[sflag:s4] =	ssyncset.done $0x0  }
0xd: {  	[sflag:s4] =	ssyncadd.s32 $0xFFFFFFFF  }
0xe: {  	s18 =	sld [smem:$0x11];
	(tm) =	ssettm $0x1  }
0xf: {  	s19 =	sld [smem:$0x3FFB];
	_ =	sdelay $0x3  }
0x10: {  	_ =	strace s19  }
0x11: {  	s4 =	sld [smem:$0x3FFC];
	_ =	sdelay $0x3  }
0x12: {  	_ =	strace s4  }
0x13: {  	s4 =	sld [smem:$0x3FFD];
	_ =	sdelay $0x3  }
0x14: {  	_ =	strace s4  }
0x15: {  	_ =	strace $0x8FFFFFFF  }
0x16: {  	s20 =	sld [smem:$0x3FDB];
	_ =	sdelay $0x1  }
0x17: {  	s21 =	simm.s32 $_scs_section_size  }
0x18: {  	s6 =	simm.s32 $_size__tile_overlayer_lowered;
	s7 =	simm.s32 $_tile_overlayer_lowered  }
0x19: {  	s24 =	simm.s32 $0x1BFF;
	s23 =	sshll.u32 s7, $0x1;
	s4 =	sadd.s32 s21, s20  }
0x1a: {  	s8 =	simm.s32 $0x0;
	s22 =	sshll.u32 s6, $0x1;
	s6 =	sadd.s32 s23, s4  }
0x1b: {  	[timem:s8], [sflag:s24] =	dma.local [hbm:s6], s22  }
0x1c: {  	_ =	swait.ge [sflag:s24], s22  }
0x1d: {  	s5 =	ssub.s32 $0x0, s22;
	[sflag:s24] =	ssyncset.done $0x0  }
0x1e: {  	[sflag:s24] =	ssyncadd.s32 s5;
	_ =	sdelay $0x1  }
0x1f: {  	s25 =	simm.s32 $0x1B8B  }
0x20: {  	_ =	swait.ge [sflag:s25], $0x1  }
0x21: {  	[sflag:s25] =	ssyncset.done $0x0  }
0x22: {  	s26 =	simm.s32 $0x1B8E;
	[sflag:s25] =	ssyncadd.s32 $0xFFFFFFFF  }
0x23: {  	s27 =	simm.s32 $execute0_lowered;
	[smem:$0x3FD2] =	sst s26  }
0x24: {  	s5 =	sshll.u32 s27, $0x1;
	_ =	strace $0x80000046;
	[dreg:$0x1] =	wrdreg $0xFFFFFFFF  }
0x25: {  	s28 =	simm.s32 $_size_execute0_lowered;
	s4 =	sadd.s32 s4, s5;
	[dreg:$0x0] =	wrdreg $0x0  }
0x26: {  	s5 =	sshll.u32 s28, $0x1;
	[dreg:$0x2] =	wrdreg s4  }
0x27: {  	[dreg:$0x3] =	wrdreg s5  }
0x28: {  	[dreg:$0x4] =	wrdreg $0xC0  }
0x29: {  	_ =	task [dreg:s8], $0x5FFFF  }
0x2a: {  	[dreg:$0x1] =	wrdreg $0xFFFFFFFF  }
0x2b: {  	[dreg:$0x0] =	wrdreg $0x60  }
0x2c: {  	[dreg:$0x2] =	wrdreg s17  }
0x2d: {  	[dreg:$0x3] =	wrdreg s18  }
0x2e: {  	[dreg:$0x4] =	wrdreg $0x9  }
0x2f: {  	_ =	task.clear_ibuf [dreg:s8], $0x5FFFF;
	_ =	strace $0x90000046  }
0x30: {  	s29 =	simm.s32 $0x9;
	_ =	strace $0x80000048  }
0x31: {  	_ =	swait.ge [sflag:s29], $0x1  }
0x32: {  	[sflag:s29] =	ssyncadd.s32 $0xFFFFFFFF  }
0x33: {  	_ =	strace $0x90000048  }
0x34: {  	_ =	sfence  }
0x35: {  	s30 =	sld [smem:$0x0];
	_ =	sdelay $0x2  }
0x36: {  	s31 =	sshll.u32 s1, $0xD;
	s1 =	sshrl.u32 s1, $0x2  }
0x37: {  	s3 =	sand.u32 $0x4000, s31;
	s1 =	sadd.s32 s1, s30  }
0x38: {  	s0 =	sor.u32 s3, s0;
	s1 =	sshll.u32 s1, $0x11  }
0x39: {  	s0 =	sor.u32 s1, s0  }
0x3a: {  	s0 =	sadd.s32 $0x8F2B, s0  }
0x3b: {  	[sflag:s0] =	ssyncadd.remote.s32 $0x1  }
0x3c: {  	_ =	sfence.sel $0xFFFF  }
0x3d: {  	[dreg:$0x0] =	wrdreg $0xFFFFFFFF;
	(pc) =	sbr.abs _section_cstart, $3  }
0x3e: {  	[dreg:$0x1] =	wrdreg $0xFFFFFFFF  }
0x3f: {  	_ =	task.clear_ibuf [dreg:s8], $0x2FFFF;
	_ =	strace $0x9FFFFFFF  }
0x40: {  	(tm) =	ssettm $0x7FFFFFFF  }
0x41: {  	_ =	shalt  }
tec
execute0_lowered:
.L_overlay_start_1:
0x0: {  	(tag) =	ssettag $0x1  }
0x1: {  	s2 =	rddreg [dreg:$0x0]  }
0x2: {  	s3 =	rddreg [dreg:$0x1]  }
0x3: {  	s0 =	rddreg [dreg:$0x2];
	_ =	strace $0x80000047;
	s4 =	srdreg.scid  }
.Ltmp0:
0x4: {  	s1 =	stileid.u32;
	s6 =	simm.s32 $0x2;
	(pc) =	sbr.rel .LBB1_1-.Ltmp0, $4  }
0x5: {  	p0 =	por $0x0, $0x0;
	s9 =	simm.s32 $0x0;
	s5 =	sshll.u32 s4, $0x4  }
0x6: {  	s7 =	simm.s32 $0x0;
	s4 =	simm.s32 $0x1;
	s5 =	sand.u32 $0x10, s5  }
0x7: {  	s15 =	simm.s32 $0x0;
	[sflag:s4] =	ssyncpa.u1 $0x0;
	s5 =	sor.u32 s1, s5  }
0x8: {  	[sflag:s6] =	ssyncpa.u1 $0x0;
	s6 =	simm.s32 $0x0;
	s8 =	smov.u32 s5  }
.LBB1_7:
0x9: {  	s11 =	sadd.s32 $0x20, s8  }
0xa: {  	p1 =	slt.u32 s7, $0x2;
	s7 =	sadd.s32 $0x1, s7;
	p2 =	sgt.s32 s11, $0x3FF  }
0xb: {  	s11 =	smov.u32 @p2 s5;
	p2 =	sne.s32 s7, $0x22  }
.Ltmp1:
0xc: {  	_ = 	snop;
	(pc) =	sbr.rel @!p2 .LBB1_8-.Ltmp1, $4  }
0xd: {  	s10 =	simm.s32 @!p1 $0x2  }
0xe: {  	_ =	swait.ge @!p1 [sflag:s10], $0x4000  }
0xf: {  	s9 =	smov.u32 s8;
	[sflag:s10] =	ssyncset.done @!p1 $0x0  }
0x10: {  	p0 =	por !p0, !p0;
	s8 =	smov.u32 s11;
	[sflag:s10] =	ssyncadd.s32 @!p1 $0xFFFFC000  }
.LBB1_1:
0x11: {  	p1 =	sgt.u32 s7, $0x1F  }
0x12: {  	s10 =	sxor.u32 @!p1 $0xFFFFFFFF, s7  }
0x13: {  	s11 =	sshll.u32 @!p1 s8, $0xB;
	s10 =	sshll.u32 @!p1 s10, $0xE  }
0x14: {  	s12 =	simm.s32 @!p1 $0x0;
	s11 =	sadd.s32 @!p1 s2, s11;
	s10 =	sand.u32 @!p1 $0x4000, s10  }
0x15: {  	[tilespmem:s10], [sflag:$0x1] =	stream.linear.gather @!p1 [hbm4b:s11+s12], $0x4000, $0x38;
	[tilespmem:$0x10000] =	vst v63  }
0x16: {  	p1 =	seq.s32 s7, $0x0  }
0x17: {  	p2 =	seq.s32 @!p1 s7, $0x21  }
0x18: {  	p1 =	por p1, p2  }
.Ltmp2:
0x19: {  	_ = 	snop;
	(pc) =	sbr.rel @p1 .LBB1_7-.Ltmp2, $1  }
0x1a: {  	_ =	sdelay $0x3  }
0x1b: {  	s10 =	simm.s32 $0x1  }
0x1c: {  	_ =	swait.ge [sflag:s4], $0x4000;
	s11 =	sshll.u32 s7, $0xE;
	p1 =	por $0x0, $0x0  }
0x1d: {  	s16 =	simm.s32 $0x0;
	s17 =	simm.s32 $0x0;
	s10 =	simm.s32 @!p0 $0x0  }
0x1e: {  	[sflag:s4] =	ssyncset.done $0x0;
	s13 =	sand.u32 $0x4000, s11;
	s10 =	sshll.u32 s10, $0x10  }
0x1f: {  	[sflag:s4] =	ssyncadd.s32 $0xFFFFC000;
	s11 =	sor.u32 $0x8000, s13;
	s14 =	sshrl.u32 s10, $0x2  }
0x20: {  	s10 =	sor.u32 $0x40, s14;
	s12 =	sor.u32 $0x8410, s14;
	s14 =	sadd.s32 $0x8400, s14  }
.LBB1_3:
0x21: {  	v1 =	vld [tilespmem:s10+$0xFFFFFFD0]  }
0x22: {  	v2 =	vld [tilespmem:s10+$0x430]  }
0x23: {  	s18 =	sshll.u32 s17, $0xB;
	v4 =	vld [tilespmem:s10+$0xFFFFFFE0]  }
0x24: {  	v7 =	vld [tilespmem:s10+$0xFFFFFFF0];
	v0 =	vmov s18  }
0x25: {  	v8 =	vld [tilespmem:s10+$0x0]  }
0x26: {  	s30 =	sand.u32 $0x300, s15;
	v9 =	vld [tilespmem:s10+$0x10]  }
0x27: {  	s19 =	sand.u32 $0x80, s15;
	v10 =	vld [tilespmem:s10+$0x20];
	s18 =	sadd.s32 s30, s13  }
0x28: {  	v11 =	vld [tilespmem:s10+$0x30];
	s18 =	sadd.s32 s19, s18;
	s19 =	simm.s32 $0x1;
	[tilespmem:s12+$0x60] =	vst v2  }
0x29: {  	s31 =	sshll.u32 s16, $0x2;
	s19 =	simm.s32 @!p1 $0x0;
	[tilespmem:s12+$0xFFFFFC00] =	vst v1;
	v3 =	vld.idx.msk [tilespmem:v0+s18+$0x400 ss:$0x1], $0xffff  }
0x2a: {  	v6 =	vld [tilespmem:s10+$0x3D0];
	s19 =	sshll.u32 s19, $0x9;
	[tilespmem:s12+$0xFFFFFC10] =	vst v4;
	s18 =	sand.u32 $0xFFFFFC00, s31  }
0x2b: {  	v5 =	vld [tilespmem:s10+$0x3E0];
	[tilespmem:s12+$0xFFFFFC20] =	vst v7;
	s18 =	sor.u32 s19, s18  }
0x2c: {  	[tilespmem:s12+$0xFFFFFC30] =	vst v8;
	v4 =	vld [tilespmem:s10+$0x400];
	s18 =	sshrl.u32 s18, $0x2  }
0x2d: {  	[tilespmem:s12+$0xFFFFFC40] =	vst v9;
	v1 =	vld [tilespmem:s10+$0x410];
	s18 =	sadd.s32 s18, s14  }
0x2e: {  	[tilespmem:s18+$0x0] =	vst v3;
	v3 =	vld [tilespmem:s10+$0x3F0]  }
0x2f: {  	s22 =	simm.s32 $0x80;
	s21 =	simm.s32 $0x100;
	[tilespmem:s12+$0xFFFFFC50] =	vst v10;
	v2 =	vld [tilespmem:s10+$0x420]  }
0x30: {  	s20 =	smov.u32 s12;
	s23 =	sand.u32 $0x300, s22;
	v7 =	vld [tilespmem:s10+$0xFFFFFFC0];
	[tilespmem:s12+$0xFFFFFC60] =	vst v11;
	s19 =	sadd.s32 $0x80, s10  }
.LBB1_4:
0x31: {  	p2 =	sne.s32 s21, $0x380;
	v8 =	vld [tilespmem:s19+$0xFFFFFFD0];
	s22 =	sand.u32 $0x80, s22;
	s23 =	sadd.s32 s23, s13;
	[tilespmem:s20+$0x0] =	vst v6  }
0x32: {  	s23 =	sadd.s32 s22, s23;
	v6 =	vld [tilespmem:s19+$0x430];
	[tilespmem:s20+$0x10] =	vst v5;
	s22 =	smov.u32 s21  }
0x33: {  	v5 =	vld.idx.msk [tilespmem:v0+s23+$0x400 ss:$0x1], $0xffff;
	[tilespmem:s20+$0x20] =	vst v3  }
0x34: {  	v3 =	vld [tilespmem:s19+$0xFFFFFFE0];
	[tilespmem:s20+$0x30] =	vst v4  }
0x35: {  	v4 =	vld [tilespmem:s19+$0xFFFFFFF0];
	[tilespmem:s20+$0xFFFFFBF0] =	vst v7  }
0x36: {  	v7 =	vld [tilespmem:s19+$0x0];
	[tilespmem:s20+$0x40] =	vst v1  }
0x37: {  	v1 =	vld [tilespmem:s19+$0x10];
	[tilespmem:s20+$0x50] =	vst v2;
	s20 =	sadd.s32 $0x800, s20  }
0x38: {  	s18 =	sadd.s32 $0x800, s18;
	v2 =	vld [tilespmem:s19+$0x20];
	[tilespmem:s20+$0x60] =	vst v6  }
0x39: {  	v9 =	vld [tilespmem:s19+$0x30];
	[tilespmem:s18+$0x0] =	vst v5  }
0x3a: {  	[tilespmem:s20+$0xFFFFFC00] =	vst v8;
	v6 =	vld [tilespmem:s19+$0x3D0]  }
0x3b: {  	[tilespmem:s20+$0xFFFFFC10] =	vst v3;
	v5 =	vld [tilespmem:s19+$0x3E0]  }
.Ltmp3:
0x3c: {  	[tilespmem:s20+$0xFFFFFC20] =	vst v4;
	v3 =	vld [tilespmem:s19+$0x3F0];
	(pc) =	sbr.rel @p2 .LBB1_4-.Ltmp3, $4  }
0x3d: {  	[tilespmem:s20+$0xFFFFFC30] =	vst v7;
	v4 =	vld [tilespmem:s19+$0x400]  }
0x3e: {  	[tilespmem:s20+$0xFFFFFC40] =	vst v1;
	v1 =	vld [tilespmem:s19+$0x410]  }
0x3f: {  	[tilespmem:s20+$0xFFFFFC50] =	vst v2;
	v2 =	vld [tilespmem:s19+$0x420]  }
0x40: {  	s21 =	sadd.s32 $0x80, s21;
	s23 =	sand.u32 $0x300, s22;
	v7 =	vld [tilespmem:s19+$0xFFFFFFC0];
	[tilespmem:s20+$0xFFFFFC60] =	vst v9;
	s19 =	sadd.s32 $0x80, s19  }
0x41: {  	[tilespmem:s20+$0x0] =	vst v6  }
0x42: {  	[tilespmem:s20+$0x10] =	vst v5  }
0x43: {  	v49 =	vld [tilespmem:s19+$0x430];
	[tilespmem:s20+$0x20] =	vst v3  }
0x44: {  	v50 =	vld [tilespmem:s19+$0xFFFFFFD0];
	[tilespmem:s20+$0x30] =	vst v4  }
0x45: {  	v51 =	vld [tilespmem:s19+$0xFFFFFFE0];
	[tilespmem:s20+$0x40] =	vst v1  }
0x46: {  	v52 =	vld [tilespmem:s19+$0xFFFFFFF0];
	[tilespmem:s20+$0x50] =	vst v2  }
0x47: {  	s31 =	sadd.s32 $0x800, s20;
	v53 =	vld [tilespmem:s19+$0x0];
	[tilespmem:s20+$0xFFFFFBF0] =	vst v7  }
0x48: {  	v54 =	vld [tilespmem:s19+$0x10];
	[tilespmem:s31+$0x60] =	vst v49  }
0x49: {  	v55 =	vld [tilespmem:s19+$0x20];
	[tilespmem:s31+$0xFFFFFC00] =	vst v50  }
0x4a: {  	v56 =	vld [tilespmem:s19+$0x30];
	[tilespmem:s31+$0xFFFFFC10] =	vst v51  }
0x4b: {  	v57 =	vld [tilespmem:s19+$0x3D0];
	[tilespmem:s31+$0xFFFFFC20] =	vst v52  }
0x4c: {  	v58 =	vld [tilespmem:s19+$0x3E0];
	[tilespmem:s31+$0xFFFFFC30] =	vst v53  }
0x4d: {  	v59 =	vld [tilespmem:s19+$0x3F0];
	[tilespmem:s31+$0xFFFFFC40] =	vst v54  }
0x4e: {  	v60 =	vld [tilespmem:s19+$0x400];
	[tilespmem:s31+$0xFFFFFC50] =	vst v55  }
0x4f: {  	v61 =	vld [tilespmem:s19+$0xFFFFFFC0];
	[tilespmem:s31+$0xFFFFFC60] =	vst v56  }
0x50: {  	s21 =	sand.u32 $0x80, s22;
	s30 =	sadd.s32 s23, s13;
	v62 =	vld [tilespmem:s19+$0x410];
	[tilespmem:s31+$0x0] =	vst v57  }
0x51: {  	v63 =	vld [tilespmem:s19+$0x420];
	s17 =	sadd.s32 $0x1, s17;
	s21 =	sadd.s32 s21, s30;
	[tilespmem:s31+$0x10] =	vst v58  }
0x52: {  	p2 =	sne.s32 s17, $0x8;
	v0 =	vld.idx.msk [tilespmem:v0+s21+$0x400 ss:$0x1], $0xffff;
	[tilespmem:s31+$0x20] =	vst v59  }
.Ltmp4:
0x53: {  	[tilespmem:s31+$0x30] =	vst v60;
	(pc) =	sbr.rel @p2 .LBB1_3-.Ltmp4, $4  }
0x54: {  	[tilespmem:s31+$0xFFFFFBF0] =	vst v61  }
0x55: {  	[tilespmem:s31+$0x40] =	vst v62  }
0x56: {  	s18 =	sadd.s32 $0x800, s18;
	s10 =	sadd.s32 $0x800, s10;
	[tilespmem:s31+$0x50] =	vst v63  }
0x57: {  	s16 =	sadd.s32 $0x80, s16;
	p1 =	por !p1, !p1;
	s12 =	sadd.s32 $0x80, s12;
	[tilespmem:s18+$0x0] =	vst v0  }
.Ltmp5:
0x58: {  	(pc) =	sbr.rel .LBB1_7-.Ltmp5, $4  }
0x59: {  	_ = 	snop  }
0x5a: {  	s9 =	sshll.u32 s9, $0xB  }
0x5b: {  	s9 =	sadd.s32 s3, s9  }
0x5c: {  	[hbm4b:s9+s6] =	stream.linear.scatter [tilespmem:s11], [sflag:$0x2], $0x4000, $0x38;
	[tilespmem:$0x10000] =	vst v63  }
.LBB1_8:
0x5d: {  	_ =	sfence.sel $0x180000  }
0x5e: {  	s2 =	simm.s32 $0x1;
	[bflag:$0x0] =	sbarrier.arrive $0xFFFF  }
0x5f: {  	s31 =	simm.s32 $0x2;
	[sflag:s2] =	ssyncpa.u1 $0x1  }
0x60: {  	[sflag:s31] =	ssyncpa.u1 $0x1  }
0x61: {  	p0 =	sne.s32 s1, $0x0;
	_ =	strace $0x90000047  }
0x62: {  	s0 =	sadd.s32 @!p0 $0x100000, s0;
	[bflag:$0x2] =	sbarrier.arrive $0xFFFF  }
0x63: {  	[sflag:s0] =	ssyncadd.tile.s32 @!p0 $0x1;
	_ =	shalt  }
.Lfunc_end1:
_tile_overlayer_lowered:
.L_overlay_start_2:
0x64: {  	(tag) =	ssettag $0x2  }
0x65: {  	s0 =	rddreg [dreg:$0x0];
	s2 =	stileid.u32  }
0x66: {  	s1 =	rddreg [dreg:$0x1];
	p0 =	sne.s32 s2, $0x0  }
0x67: {  	s3 =	rddreg [dreg:$0x2];
	[bflag:$0x3] =	sbarrier.arrive $0xFFFF;
	s2 =	simm.s32 @!p0 $0x1C01  }
0x68: {  	[timem:s3], [sflag:s2] =	dma.local @!p0 [hbm:s0], s1  }
0x69: {  	s0 =	simm.s32 @!p0 $0x1  }
0x6a: {  	_ =	swait.ge @!p0 [sflag:s0], s1  }
0x6b: {  	s1 =	ssub.s32 @!p0 $0x0, s1;
	[sflag:s0] =	ssyncset.done @!p0 $0x0  }
0x6c: {  	[sflag:s0] =	ssyncadd.s32 @!p0 s1  }
0x6d: {  	[bflag:$0x3] =	sbarrier.arrive $0xFFFF  }
0x6e: {  	_ =	shalt  }

</sc_bundles>
